<compile_context>
chip_gen: v7x
topology: tpu7x:2x2x1
jax: 0.10.2.dev20260603
libtpu: 0.0.44.dev20260713+nightly
codegen_flags: <defaults>
</compile_context>

<pallas_src>
import dataclasses

import jax
import jax.numpy as jnp
from jax import lax
from jax.experimental import pallas as pl
from jax.experimental.pallas import tpu as pltpu
from jax.experimental.pallas import tpu_sc as plsc

N = 10000
E = 320000
D = 128

NC = 2
NS = 16
NW = NC * NS
EW = E // NW
P = 320
NPAD = NW * P
ROWPAD = P + 8
TRASH = P + 7
REGW = EW + 752
OFFW = 40
SENT = (1 << 14) - 1
CHUNK = 128

_OMUL = 6554
_OSHR = 21

_mesh = plsc.VectorSubcoreMesh(core_axis_name="c", subcore_axis_name="s")

_sc_params = pltpu.CompilerParams()
if "needs_layout_passes" in pltpu.CompilerParams.__dataclass_fields__:
    _sc_params = dataclasses.replace(_sc_params, needs_layout_passes=False)


def _wid():
    return lax.axis_index("s") * NC + lax.axis_index("c")


def _route_body(ei_hbm, edges_hbm, offs_hbm, src_v, dst_v, ebuf, cnts, curs,
                offv, sem):
    w = _wid()
    base = w * EW
    pltpu.async_copy(ei_hbm.at[pl.ds(base, EW)], src_v, sem).wait()
    pltpu.async_copy(ei_hbm.at[pl.ds(E + base, EW)], dst_v, sem).wait()

    zeros = jnp.zeros((16,), jnp.int32)
    cnts[pl.ds(0, 16)] = zeros
    cnts[pl.ds(16, 16)] = zeros

    @pl.loop(0, EW // 16)
    def _(i):
        d = dst_v[pl.ds(i * 16, 16)]
        o = lax.shift_right_logical(d * _OMUL, _OSHR)
        cnt, last = plsc.scan_count(o)
        plsc.addupdate_scatter(cnts, [o], cnt, mask=last)

    c0 = cnts[pl.ds(0, 16)]
    c1 = cnts[pl.ds(16, 16)]
    p0 = jnp.bitwise_and(c0 + 7, -8)
    p1 = jnp.bitwise_and(c1 + 7, -8)
    i0 = plsc.cumsum(p0)
    s0 = jnp.sum(p0)
    i1 = plsc.cumsum(p1) + s0
    e0 = i0 - p0
    e1 = i1 - p1
    offv[pl.ds(0, 16)] = e0
    offv[pl.ds(16, 16)] = e1
    total = jnp.sum(p1) + s0
    offv[pl.ds(32, 16)] = jnp.full((16,), total, jnp.int32)
    curs[pl.ds(0, 16)] = e0
    curs[pl.ds(16, 16)] = e1

    @pl.loop(0, REGW // 16)
    def _(i):
        ebuf[pl.ds(i * 16, 16)] = jnp.full((16,), SENT, jnp.int32)

    @pl.loop(0, EW // 16)
    def _(i):
        s = src_v[pl.ds(i * 16, 16)]
        d = dst_v[pl.ds(i * 16, 16)]
        o = lax.shift_right_logical(d * _OMUL, _OSHR)
        cnt, last = plsc.scan_count(o)
        bpos = plsc.load_gather(curs, [o])
        pos = bpos + cnt - 1
        packed = jnp.bitwise_or(lax.shift_left(s, 14), d)
        plsc.store_scatter(ebuf, [pos], packed)
        plsc.addupdate_scatter(curs, [o], cnt, mask=last)

    pltpu.async_copy(ebuf, edges_hbm.at[pl.ds(w * REGW, REGW)], sem).wait()
    pltpu.async_copy(offv.at[pl.ds(0, OFFW)],
                     offs_hbm.at[pl.ds(w * OFFW, OFFW)], sem).wait()


@jax.jit
def _route(edge_index):
    kern = pl.kernel(
        _route_body,
        out_type=(
            jax.ShapeDtypeStruct((NW * REGW,), jnp.int32),
            jax.ShapeDtypeStruct((NW * OFFW,), jnp.int32),
        ),
        mesh=_mesh,
        compiler_params=_sc_params,
        scratch_types=[
            pltpu.VMEM((EW,), jnp.int32),
            pltpu.VMEM((EW,), jnp.int32),
            pltpu.VMEM((REGW,), jnp.int32),
            pltpu.VMEM((32,), jnp.int32),
            pltpu.VMEM((32,), jnp.int32),
            pltpu.VMEM((48,), jnp.int32),
            pltpu.SemaphoreType.DMA,
        ],
    )
    return kern(edge_index.reshape(2 * E))


KMAX = 2560


def _sget(ref, i):
    return jnp.max(plsc.load_gather(ref, [jnp.full((16,), i, jnp.int32)]))


def _agg_body(feat_hbm, edges_hbm, offs_hbm, agg_hbm, acc, rowsb, ebb, sib,
              dlb_, offs_v, srb, slim, se0, sg0, sco):
    b = _wid()
    pltpu.async_copy(offs_hbm, offs_v, sco).wait()

    neg = jnp.full((16,), -jnp.inf, jnp.float32)

    @pl.loop(0, ROWPAD * 8)
    def _(r):
        acc[pl.ds(r * 16, 16)] = neg

    blo = b * P
    iota = lax.iota(jnp.int32, 16)

    def wbody(w, cursor):
        start = _sget(offs_v, w * OFFW + b)
        end = _sget(offs_v, w * OFFW + b + 1)
        seglen = end - start
        nch = lax.shift_right_logical(seglen + (CHUNK - 1), 7)
        ngr = lax.shift_right_logical(nch + 15, 4)
        segbase = w * REGW + start

        def gbody(g, z):
            k = g * 16 + iota
            m = k < nch
            off = k * CHUNK
            at = jnp.full((16,), cursor, jnp.int32) + k
            plsc.store_scatter(srb, [at],
                               jnp.full((16,), segbase, jnp.int32) + off,
                               mask=m)
            plsc.store_scatter(slim, [at],
                               jnp.full((16,), seglen, jnp.int32) - off,
                               mask=m)
            return z

        lax.fori_loop(0, ngr, gbody, 0)
        return cursor + nch

    K = lax.fori_loop(0, NW, wbody, 0)

    NB = 4
    ebufs = tuple(ebb.at[k] for k in range(NB))
    sidxs = tuple(sib.at[k] for k in range(NB))
    dlvs = tuple(dlb_.at[k] for k in range(NB))
    rowss = tuple(rowsb.at[k] for k in range(NB))
    sems_e = tuple(se0.at[k] for k in range(NB))
    sems_g = tuple(sg0.at[k] for k in range(NB))

    def issue_edges(c, slot):
        @pl.when(c < K)
        def _():
            rb = pl.multiple_of(_sget(srb, c), 8)
            pltpu.async_copy(edges_hbm.at[pl.ds(rb, CHUNK)], ebufs[slot],
                             sems_e[slot])

    def fire_e(c, slot):
        @pl.when(c < K)
        def _():
            rb = pl.multiple_of(_sget(srb, c), 8)
            pltpu.async_copy(edges_hbm.at[pl.ds(rb, CHUNK)], ebufs[slot],
                             sems_e[slot])

    def decode(c, slot):
        @pl.when(c < K)
        def _():
            pltpu.make_async_copy(edges_hbm.at[pl.ds(0, CHUNK)], ebufs[slot],
                                  sems_e[slot]).wait()
            lim = _sget(slim, c)
            for j in range(CHUNK // 16):
                e = ebufs[slot][pl.ds(16 * j, 16)]
                sidxs[slot][pl.ds(16 * j, 16)] = lax.shift_right_logical(e, 14)
                dl = jnp.bitwise_and(e, SENT) - blo
                pos = iota + (16 * j)
                ok = jnp.logical_and(pos < lim,
                                     jnp.logical_and(dl >= 0, dl < P))
                dlvs[slot][pl.ds(16 * j, 16)] = jnp.where(ok, dl, TRASH) * 128

    def fire_g(c, slot):
        @pl.when(c < K)
        def _():
            pltpu.async_copy(feat_hbm.at[sidxs[slot]],
                             rowss[slot], sems_g[slot])

    def drain_g(c, slot):
        @pl.when(c < K)
        def _():
            pltpu.make_async_copy(feat_hbm.at[sidxs[slot]],
                                  rowss[slot], sems_g[slot]).wait()

    def one_edge(slot, j):
        dlb = plsc.load_gather(dlvs[slot], [jnp.full((16,), j, jnp.int32)])
        abase = dlb + iota
        addrs = [abase + (16 * v) for v in range(8)]
        accs = [plsc.load_gather(acc, [a]) for a in addrs]
        rws = [rowss[slot][j, pl.ds(16 * v, 16)] for v in range(8)]
        mx = [jnp.maximum(a, r) for a, r in zip(accs, rws)]
        for a, m in zip(addrs, mx):
            plsc.store_scatter(acc, [a], m)

    def hotloop(c, slot):
        @pl.when(c < K)
        def _():
            @pl.loop(0, CHUNK, step=4)
            def _(j):
                one_edge(slot, j)
                one_edge(slot, j + 1)
                one_edge(slot, j + 2)
                one_edge(slot, j + 3)

    def ibody(i, z):
        c0 = i * NB
        for k in range(NB):
            fire_e(c0 + k, k)
        for k in range(NB):
            decode(c0 + k, k)
        for k in range(NB):
            fire_g(c0 + k, k)
        for k in range(NB):
            drain_g(c0 + k, k)
        for k in range(NB):
            hotloop(c0 + k, k)
        return z

    lax.fori_loop(0, lax.div(K + (NB - 1), NB), ibody, 0)

    pltpu.async_copy(acc.at[pl.ds(0, P * D)],
                     agg_hbm.at[pl.ds(blo * D, P * D)], sco).wait()


@jax.jit
def _aggregate(feat, edges, offs):
    kern = pl.kernel(
        _agg_body,
        out_type=jax.ShapeDtypeStruct((NPAD * D,), jnp.float32),
        mesh=_mesh,
        compiler_params=_sc_params,
        scratch_types=[
            pltpu.VMEM((ROWPAD * D,), jnp.float32),
            pltpu.VMEM((4, CHUNK, D), jnp.float32),
            pltpu.VMEM((4, CHUNK), jnp.int32),
            pltpu.VMEM((4, CHUNK), jnp.int32),
            pltpu.VMEM((4, CHUNK), jnp.int32),
            pltpu.VMEM((NW * OFFW,), jnp.int32),
            pltpu.VMEM((KMAX,), jnp.int32),
            pltpu.VMEM((KMAX,), jnp.int32),
            pltpu.SemaphoreType.DMA((4,)),
            pltpu.SemaphoreType.DMA((4,)),
            pltpu.SemaphoreType.DMA,
        ],
    )
    return kern(feat, edges, offs).reshape(NPAD, D)


_ROWS = 1000


def _matr_body(x_ref, wrT_ref, o_ref):
    o_ref[...] = jnp.dot(x_ref[...], wrT_ref[...],
                         preferred_element_type=jnp.float32)


def _matr(x, Wr):
    return pl.pallas_call(
        _matr_body,
        grid=(N // _ROWS,),
        in_specs=[
            pl.BlockSpec((_ROWS, D), lambda i: (i, 0)),
            pl.BlockSpec((D, D), lambda i: (0, 0)),
        ],
        out_specs=pl.BlockSpec((_ROWS, D), lambda i: (i, 0)),
        out_shape=jax.ShapeDtypeStruct((N, D), jnp.float32),
    )(x, Wr.T)


def _dense_body(a_ref, xr_ref, wlT_ref, bl_ref, o_ref):
    a = a_ref[...]
    a = jnp.where(jnp.isneginf(a), 0.0, a)
    acc = jnp.dot(a, wlT_ref[...], preferred_element_type=jnp.float32)
    acc += xr_ref[...]
    acc += bl_ref[...]
    o_ref[...] = jnp.where(acc >= 0, acc, 0.01 * acc)


def _dense(agg, xr, Wl, bl):
    grid = (N // _ROWS,)
    return pl.pallas_call(
        _dense_body,
        grid=grid,
        in_specs=[
            pl.BlockSpec((_ROWS, D), lambda i: (i, 0)),
            pl.BlockSpec((_ROWS, D), lambda i: (i, 0)),
            pl.BlockSpec((D, D), lambda i: (0, 0)),
            pl.BlockSpec((1, D), lambda i: (0, 0)),
        ],
        out_specs=pl.BlockSpec((_ROWS, D), lambda i: (i, 0)),
        out_shape=jax.ShapeDtypeStruct((N, D), jnp.float32),
    )(agg, xr, Wl.T, bl.reshape(1, D))


def kernel(x, edge_index, Wl1, bl1, Wr1, Wl2, bl2, Wr2):
    edges, offs = _route(edge_index)
    agg1 = _aggregate(x, edges, offs)
    xr1 = _matr(x, Wr1)
    h = _dense(agg1, xr1, Wl1, bl1)
    agg2 = _aggregate(h, edges, offs)
    xr2 = _matr(h, Wr2)
    return _dense(agg2, xr2, Wl2, bl2)

# --- scband reference (transcript-rebuilt; emitter-appended) ---
"""Pipeline reference for scband-sagegnnencoder-9878424781117 (READ-ONLY COPY).

The authoritative reference and input builder live on the scoring server;
editing this copy changes nothing except your own understanding.
"""

import jax, jax.numpy as jnp
import numpy as np

N = 10000
E = 320000
D = 128
H = 128
O = 128


def setup_inputs(seed: int = 0) -> dict:
    key = jax.random.key(seed)
    ks = jax.random.split(key, 9)
    x = jax.random.normal(ks[0], (N, D), dtype=jnp.float32)
    edge_index = jax.random.randint(ks[1], (2, E), 0, N, dtype=jnp.int32)
    s1 = 1.0 / np.sqrt(D)
    s2 = 1.0 / np.sqrt(H)
    Wl1 = jax.random.uniform(ks[2], (H, D), dtype=jnp.float32, minval=-s1, maxval=s1)
    bl1 = jax.random.uniform(ks[3], (H,), dtype=jnp.float32, minval=-s1, maxval=s1)
    Wr1 = jax.random.uniform(ks[4], (H, D), dtype=jnp.float32, minval=-s1, maxval=s1)
    Wl2 = jax.random.uniform(ks[5], (O, H), dtype=jnp.float32, minval=-s2, maxval=s2)
    bl2 = jax.random.uniform(ks[6], (O,), dtype=jnp.float32, minval=-s2, maxval=s2)
    Wr2 = jax.random.uniform(ks[7], (O, H), dtype=jnp.float32, minval=-s2, maxval=s2)
    return {"x": x, "edge_index": edge_index, "Wl1": Wl1, "bl1": bl1, "Wr1": Wr1,
            "Wl2": Wl2, "bl2": bl2, "Wr2": Wr2}


def _sage_conv(x, edge_index, Wl, bl, Wr):
    # PyG SAGEConv(aggr='max', normalize=False):
    #   out = lin_l(max_aggr(x_j over incoming edges)) + lin_r(x_root)
    # lin_l has bias, lin_r has no bias. Empty segments aggregate to 0 (PyG zero-init scatter).
    src = edge_index[0]
    dst = edge_index[1]
    msg = jnp.take(x, src, axis=0)          # gather: [E, d]
    agg = jax.ops.segment_max(msg, dst, num_segments=N)  # scatter-max: [N, d]
    agg = jnp.where(jnp.isneginf(agg), 0.0, agg)
    return agg @ Wl.T + bl + x @ Wr.T


def reference(x, edge_index, Wl1, bl1, Wr1, Wl2, bl2, Wr2):
    # dropout p=0.0 -> identity
    h = _sage_conv(x, edge_index, Wl1, bl1, Wr1)
    h = jax.nn.leaky_relu(h, negative_slope=0.01)
    h = _sage_conv(h, edge_index, Wl2, bl2, Wr2)
    h = jax.nn.leaky_relu(h, negative_slope=0.01)
    return h

if __name__ == "__main__":
    import jax
    _d = setup_inputs()
    print(jax.jit(kernel)(*tuple(_d.values())))

</pallas_src>

<mosaic_0001>
#map = affine_map<(d0, d1) -> (0)>
module attributes {stable_mosaic.version = 14 : i64} {
  func.func @_route_body(%arg0: i32, %arg1: i32, %arg2: memref<640000xi32, #tpu.memory_space<hbm>>, %arg3: memref<344064xi32, #tpu.memory_space<hbm>>, %arg4: memref<1280xi32, #tpu.memory_space<hbm>>, %arg5: memref<10000xi32, #tpu.memory_space<vmem>>, %arg6: memref<10000xi32, #tpu.memory_space<vmem>>, %arg7: memref<10752xi32, #tpu.memory_space<vmem>>, %arg8: memref<32xi32, #tpu.memory_space<vmem>>, %arg9: memref<32xi32, #tpu.memory_space<vmem>>, %arg10: memref<48xi32, #tpu.memory_space<vmem>>, %arg11: memref<!tpu.dma_semaphore, #tpu.memory_space<semaphore_mem>>) attributes {dimension_semantics = [#tpu.dimension_semantics<core_parallel>, #tpu.dimension_semantics<subcore_parallel>], iteration_bounds = array<i64: 2, 16>, scalar_prefetch = 0 : i64, scratch_operands = 7 : i64, tpu.core_type = #tpu.core_type<sc_vector_subcore>, window_params = [{transform_indices = #map}, {transform_indices = #map}, {transform_indices = #map}]} {
    %mul3A = arith.constant 2 : i32
    %mul3A_0 = arith.muli %arg1, %mul3A : i32
    %add3A = arith.addi %mul3A_0, %arg0 : i32
    %mul3A_1 = arith.constant 10000 : i32
    %mul3A_2 = arith.muli %add3A, %mul3A_1 : i32
    %dma_start3A = tpu.memref_slice %arg2[%mul3A_2] : memref<640000xi32, #tpu.memory_space<hbm>> -> memref<10000xi32, #tpu.memory_space<hbm>>
    %dma_start3A_3 = tpu.memref_slice %arg2[%mul3A_2] : memref<640000xi32, #tpu.memory_space<hbm>> -> memref<10000xi32, #tpu.memory_space<hbm>>
    tpu.enqueue_dma source(%dma_start3A_3 : memref<10000xi32, #tpu.memory_space<hbm>>) target(%arg5 : memref<10000xi32, #tpu.memory_space<vmem>>) target_semaphore(%arg11 : memref<!tpu.dma_semaphore, #tpu.memory_space<semaphore_mem>>)
    %dma_wait3A = tpu.memref_slice %arg2[%mul3A_2] : memref<640000xi32, #tpu.memory_space<hbm>> -> memref<10000xi32, #tpu.memory_space<hbm>>
    %dma_wait3A_4 = tpu.memref_slice %arg2[%mul3A_2] : memref<640000xi32, #tpu.memory_space<hbm>> -> memref<10000xi32, #tpu.memory_space<hbm>>
    tpu.wait_dma2 semaphore(%arg11 : memref<!tpu.dma_semaphore, #tpu.memory_space<semaphore_mem>>) src(%dma_wait3A_4 : memref<10000xi32, #tpu.memory_space<hbm>>) dst(%arg5 : memref<10000xi32, #tpu.memory_space<vmem>>)
    %add3A_5 = arith.constant 320000 : i32
    %add3A_6 = arith.addi %add3A_5, %mul3A_2 : i32
    %dma_start3A_7 = tpu.memref_slice %arg2[%add3A_6] : memref<640000xi32, #tpu.memory_space<hbm>> -> memref<10000xi32, #tpu.memory_space<hbm>>
    %dma_start3A_8 = tpu.memref_slice %arg2[%add3A_6] : memref<640000xi32, #tpu.memory_space<hbm>> -> memref<10000xi32, #tpu.memory_space<hbm>>
    tpu.enqueue_dma source(%dma_start3A_8 : memref<10000xi32, #tpu.memory_space<hbm>>) target(%arg6 : memref<10000xi32, #tpu.memory_space<vmem>>) target_semaphore(%arg11 : memref<!tpu.dma_semaphore, #tpu.memory_space<semaphore_mem>>)
    %dma_wait3A_9 = tpu.memref_slice %arg2[%add3A_6] : memref<640000xi32, #tpu.memory_space<hbm>> -> memref<10000xi32, #tpu.memory_space<hbm>>
    %dma_wait3A_10 = tpu.memref_slice %arg2[%add3A_6] : memref<640000xi32, #tpu.memory_space<hbm>> -> memref<10000xi32, #tpu.memory_space<hbm>>
    tpu.wait_dma2 semaphore(%arg11 : memref<!tpu.dma_semaphore, #tpu.memory_space<semaphore_mem>>) src(%dma_wait3A_10 : memref<10000xi32, #tpu.memory_space<hbm>>) dst(%arg6 : memref<10000xi32, #tpu.memory_space<vmem>>)
    %broadcast_in_dim3A = arith.constant 0 : i32
    %broadcast_in_dim3A_11 = vector.broadcast %broadcast_in_dim3A : i32 to vector<16xi32>
    %swap3A = arith.constant 0 : index
    %swap3A_12 = tpu.vector_load %arg8[%swap3A] {strides = array<i32>} : memref<32xi32, #tpu.memory_space<vmem>>, vector<16xi32>,
    tpu.vector_store %arg8[%swap3A], %broadcast_in_dim3A_11 {strides = array<i32>} : memref<32xi32, #tpu.memory_space<vmem>>, vector<16xi32>,
    %swap3A_13 = arith.constant 16 : index
    %swap3A_14 = tpu.vector_load %arg8[%swap3A_13] {strides = array<i32>} : memref<32xi32, #tpu.memory_space<vmem>>, vector<16xi32>,
    tpu.vector_store %arg8[%swap3A_13], %broadcast_in_dim3A_11 {strides = array<i32>} : memref<32xi32, #tpu.memory_space<vmem>>, vector<16xi32>,
    %scan3A = arith.constant 0 : i32
    %scan3A_15 = arith.constant 625 : i32
    %scan3A_16 = arith.addi %scan3A, %scan3A_15 : i32
    %scan3A_17 = arith.constant 1 : i32
    scf.for %scan3A_90 = %scan3A to %scan3A_16 step %scan3A_17  : i32 {
      %mul3A_91 = arith.constant 1 : i32
      %mul3A_92 = arith.muli %scan3A_90, %mul3A_91 : i32
      %add3A_93 = arith.constant 0 : i32
      %add3A_94 = arith.addi %add3A_93, %mul3A_92 : i32
      %mul3A_95 = arith.constant 16 : i32
      %mul3A_96 = arith.muli %add3A_94, %mul3A_95 : i32
      %get3A_97 = arith.index_cast %mul3A_96 : i32 to index
      %get3A_98 = tpu.vector_load %arg6[%get3A_97] {strides = array<i32>} : memref<10000xi32, #tpu.memory_space<vmem>>, vector<16xi32>,
      %mul3A_99 = arith.constant 6554 : i32
      %mul3A_100 = vector.broadcast %mul3A_99 : i32 to vector<16xi32>
      %mul3A_101 = arith.muli %get3A_98, %mul3A_100 : vector<16xi32>
      %shift_right_logical3A = arith.constant 21 : i32
      %shift_right_logical3A_102 = vector.broadcast %shift_right_logical3A : i32 to vector<16xi32>
      %shift_right_logical3A_103 = arith.shrui %mul3A_101, %shift_right_logical3A_102 : vector<16xi32>
      %broadcast_in_dim3A_104 = arith.constant true
      %broadcast_in_dim3A_105 = vector.broadcast %broadcast_in_dim3A_104 : i1 to vector<16xi1>
      %unique3A, %unique3A_106 = tpu.scan_count mask(%broadcast_in_dim3A_105 : vector<16xi1>) value(%shift_right_logical3A_103 : vector<16xi32>) : vector<16xi1>, vector<16xi32>
      tpu.vector_store_idx %arg8[%shift_right_logical3A_103], %unique3A_106 masked %unique3A {add = true} : memref<32xi32, #tpu.memory_space<vmem>>[vector<16xi32>], vector<16xi32>, vector<16xi1>
    }
    %scan3A_18 = arith.constant 625 : i32
    %get3A = arith.constant 0 : index
    %get3A_19 = tpu.vector_load %arg8[%get3A] {strides = array<i32>} : memref<32xi32, #tpu.memory_space<vmem>>, vector<16xi32>,
    %get3A_20 = arith.constant 16 : index
    %get3A_21 = tpu.vector_load %arg8[%get3A_20] {strides = array<i32>} : memref<32xi32, #tpu.memory_space<vmem>>, vector<16xi32>,
    %add3A_22 = arith.constant 7 : i32
    %add3A_23 = vector.broadcast %add3A_22 : i32 to vector<16xi32>
    %add3A_24 = arith.addi %get3A_19, %add3A_23 : vector<16xi32>
    %and3A = arith.constant -8 : i32
    %and3A_25 = vector.broadcast %and3A : i32 to vector<16xi32>
    %and3A_26 = arith.andi %add3A_24, %and3A_25 : vector<16xi32>
    %add3A_27 = arith.constant 7 : i32
    %add3A_28 = vector.broadcast %add3A_27 : i32 to vector<16xi32>
    %add3A_29 = arith.addi %get3A_21, %add3A_28 : vector<16xi32>
    %and3A_30 = arith.constant -8 : i32
    %and3A_31 = vector.broadcast %and3A_30 : i32 to vector<16xi32>
    %and3A_32 = arith.andi %add3A_29, %and3A_31 : vector<16xi32>
    %broadcast_in_dim3A_33 = arith.constant true
    %broadcast_in_dim3A_34 = vector.broadcast %broadcast_in_dim3A_33 : i1 to vector<16xi1>
    %masked_cumsum3A = tpu.scan <sum>, %and3A_26 masked %broadcast_in_dim3A_34 : vector<16xi32>, vector<16xi1> -> vector<16xi32>
    %reduce_sum3A = arith.constant true
    %reduce_sum3A_35 = vector.broadcast %reduce_sum3A : i1 to vector<16xi1>
    %reduce_sum3A_36 = tpu.scan <sum>, %and3A_26 masked %reduce_sum3A_35 : vector<16xi32>, vector<16xi1> -> vector<16xi32>
    %reduce_sum3A_37 = vector.extract %reduce_sum3A_36[15] : i32 from vector<16xi32>
    %broadcast_in_dim3A_38 = arith.constant true
    %broadcast_in_dim3A_39 = vector.broadcast %broadcast_in_dim3A_38 : i1 to vector<16xi1>
    %masked_cumsum3A_40 = tpu.scan <sum>, %and3A_32 masked %broadcast_in_dim3A_39 : vector<16xi32>, vector<16xi1> -> vector<16xi32>
    %add3A_41 = vector.broadcast %reduce_sum3A_37 : i32 to vector<16xi32>
    %add3A_42 = arith.addi %masked_cumsum3A_40, %add3A_41 : vector<16xi32>
    %sub3A = arith.subi %masked_cumsum3A, %and3A_26 : vector<16xi32>
    %sub3A_43 = arith.subi %add3A_42, %and3A_32 : vector<16xi32>
    %swap3A_44 = arith.constant 0 : index
    %swap3A_45 = tpu.vector_load %arg10[%swap3A_44] {strides = array<i32>} : memref<48xi32, #tpu.memory_space<vmem>>, vector<16xi32>,
    tpu.vector_store %arg10[%swap3A_44], %sub3A {strides = array<i32>} : memref<48xi32, #tpu.memory_space<vmem>>, vector<16xi32>,
    %swap3A_46 = arith.constant 16 : index
    %swap3A_47 = tpu.vector_load %arg10[%swap3A_46] {strides = array<i32>} : memref<48xi32, #tpu.memory_space<vmem>>, vector<16xi32>,
    tpu.vector_store %arg10[%swap3A_46], %sub3A_43 {strides = array<i32>} : memref<48xi32, #tpu.memory_space<vmem>>, vector<16xi32>,
    %reduce_sum3A_48 = arith.constant true
    %reduce_sum3A_49 = vector.broadcast %reduce_sum3A_48 : i1 to vector<16xi1>
    %reduce_sum3A_50 = tpu.scan <sum>, %and3A_32 masked %reduce_sum3A_49 : vector<16xi32>, vector<16xi1> -> vector<16xi32>
    %reduce_sum3A_51 = vector.extract %reduce_sum3A_50[15] : i32 from vector<16xi32>
    %add3A_52 = arith.addi %reduce_sum3A_51, %reduce_sum3A_37 : i32
    %broadcast_in_dim3A_53 = vector.broadcast %add3A_52 : i32 to vector<16xi32>
    %swap3A_54 = arith.constant 32 : index
    %swap3A_55 = tpu.vector_load %arg10[%swap3A_54] {strides = array<i32>} : memref<48xi32, #tpu.memory_space<vmem>>, vector<16xi32>,
    tpu.vector_store %arg10[%swap3A_54], %broadcast_in_dim3A_53 {strides = array<i32>} : memref<48xi32, #tpu.memory_space<vmem>>, vector<16xi32>,
    %swap3A_56 = arith.constant 0 : index
    %swap3A_57 = tpu.vector_load %arg9[%swap3A_56] {strides = array<i32>} : memref<32xi32, #tpu.memory_space<vmem>>, vector<16xi32>,
    tpu.vector_store %arg9[%swap3A_56], %sub3A {strides = array<i32>} : memref<32xi32, #tpu.memory_space<vmem>>, vector<16xi32>,
    %swap3A_58 = arith.constant 16 : index
    %swap3A_59 = tpu.vector_load %arg9[%swap3A_58] {strides = array<i32>} : memref<32xi32, #tpu.memory_space<vmem>>, vector<16xi32>,
    tpu.vector_store %arg9[%swap3A_58], %sub3A_43 {strides = array<i32>} : memref<32xi32, #tpu.memory_space<vmem>>, vector<16xi32>,
    %scan3A_60 = arith.constant 0 : i32
    %scan3A_61 = arith.constant 672 : i32
    %scan3A_62 = arith.addi %scan3A_60, %scan3A_61 : i32
    %scan3A_63 = arith.constant 1 : i32
    scf.for %scan3A_90 = %scan3A_60 to %scan3A_62 step %scan3A_63  : i32 {
      %mul3A_91 = arith.constant 1 : i32
      %mul3A_92 = arith.muli %scan3A_90, %mul3A_91 : i32
      %add3A_93 = arith.constant 0 : i32
      %add3A_94 = arith.addi %add3A_93, %mul3A_92 : i32
      %broadcast_in_dim3A_95 = arith.constant 16383 : i32
      %broadcast_in_dim3A_96 = vector.broadcast %broadcast_in_dim3A_95 : i32 to vector<16xi32>
      %mul3A_97 = arith.constant 16 : i32
      %mul3A_98 = arith.muli %add3A_94, %mul3A_97 : i32
      %swap3A_99 = arith.index_cast %mul3A_98 : i32 to index
      %swap3A_100 = tpu.vector_load %arg7[%swap3A_99] {strides = array<i32>} : memref<10752xi32, #tpu.memory_space<vmem>>, vector<16xi32>,
      tpu.vector_store %arg7[%swap3A_99], %broadcast_in_dim3A_96 {strides = array<i32>} : memref<10752xi32, #tpu.memory_space<vmem>>, vector<16xi32>,
    }
    %scan3A_64 = arith.constant 672 : i32
    %scan3A_65 = arith.constant 0 : i32
    %scan3A_66 = arith.constant 625 : i32
    %scan3A_67 = arith.addi %scan3A_65, %scan3A_66 : i32
    %scan3A_68 = arith.constant 1 : i32
    scf.for %scan3A_90 = %scan3A_65 to %scan3A_67 step %scan3A_68  : i32 {
      %mul3A_91 = arith.constant 1 : i32
      %mul3A_92 = arith.muli %scan3A_90, %mul3A_91 : i32
      %add3A_93 = arith.constant 0 : i32
      %add3A_94 = arith.addi %add3A_93, %mul3A_92 : i32
      %mul3A_95 = arith.constant 16 : i32
      %mul3A_96 = arith.muli %add3A_94, %mul3A_95 : i32
      %get3A_97 = arith.index_cast %mul3A_96 : i32 to index
      %get3A_98 = tpu.vector_load %arg5[%get3A_97] {strides = array<i32>} : memref<10000xi32, #tpu.memory_space<vmem>>, vector<16xi32>,
      %mul3A_99 = arith.constant 16 : i32
      %mul3A_100 = arith.muli %add3A_94, %mul3A_99 : i32
      %get3A_101 = arith.index_cast %mul3A_100 : i32 to index
      %get3A_102 = tpu.vector_load %arg6[%get3A_101] {strides = array<i32>} : memref<10000xi32, #tpu.memory_space<vmem>>, vector<16xi32>,
      %mul3A_103 = arith.constant 6554 : i32
      %mul3A_104 = vector.broadcast %mul3A_103 : i32 to vector<16xi32>
      %mul3A_105 = arith.muli %get3A_102, %mul3A_104 : vector<16xi32>
      %shift_right_logical3A = arith.constant 21 : i32
      %shift_right_logical3A_106 = vector.broadcast %shift_right_logical3A : i32 to vector<16xi32>
      %shift_right_logical3A_107 = arith.shrui %mul3A_105, %shift_right_logical3A_106 : vector<16xi32>
      %broadcast_in_dim3A_108 = arith.constant true
      %broadcast_in_dim3A_109 = vector.broadcast %broadcast_in_dim3A_108 : i1 to vector<16xi1>
      %unique3A, %unique3A_110 = tpu.scan_count mask(%broadcast_in_dim3A_109 : vector<16xi1>) value(%shift_right_logical3A_107 : vector<16xi32>) : vector<16xi1>, vector<16xi32>
      %gather3A = tpu.vector_load_idx %arg9[%shift_right_logical3A_107] : memref<32xi32, #tpu.memory_space<vmem>>[vector<16xi32>], vector<16xi32>,
      %add3A_111 = arith.addi %gather3A, %unique3A_110 : vector<16xi32>
      %sub3A_112 = arith.constant 1 : i32
      %sub3A_113 = vector.broadcast %sub3A_112 : i32 to vector<16xi32>
      %sub3A_114 = arith.subi %add3A_111, %sub3A_113 : vector<16xi32>
      %shift_left3A = arith.constant 14 : i32
      %shift_left3A_115 = vector.broadcast %shift_left3A : i32 to vector<16xi32>
      %shift_left3A_116 = arith.shli %get3A_98, %shift_left3A_115 : vector<16xi32>
      %or3A = arith.ori %shift_left3A_116, %get3A_102 : vector<16xi32>
      tpu.vector_store_idx %arg7[%sub3A_114], %or3A : memref<10752xi32, #tpu.memory_space<vmem>>[vector<16xi32>], vector<16xi32>,
      tpu.vector_store_idx %arg9[%shift_right_logical3A_107], %unique3A_110 masked %unique3A {add = true} : memref<32xi32, #tpu.memory_space<vmem>>[vector<16xi32>], vector<16xi32>, vector<16xi1>
    }
    %scan3A_69 = arith.constant 625 : i32
    %mul3A_70 = arith.constant 10752 : i32
    %mul3A_71 = arith.muli %add3A, %mul3A_70 : i32
    %dma_start3A_72 = tpu.memref_slice %arg3[%mul3A_71] : memref<344064xi32, #tpu.memory_space<hbm>> -> memref<10752xi32, #tpu.memory_space<hbm>>
    %dma_start3A_73 = tpu.memref_slice %arg3[%mul3A_71] : memref<344064xi32, #tpu.memory_space<hbm>> -> memref<10752xi32, #tpu.memory_space<hbm>>
    tpu.enqueue_dma source(%arg7 : memref<10752xi32, #tpu.memory_space<vmem>>) target(%dma_start3A_73 : memref<10752xi32, #tpu.memory_space<hbm>>) target_semaphore(%arg11 : memref<!tpu.dma_semaphore, #tpu.memory_space<semaphore_mem>>)
    %dma_wait3A_74 = tpu.memref_slice %arg3[%mul3A_71] : memref<344064xi32, #tpu.memory_space<hbm>> -> memref<10752xi32, #tpu.memory_space<hbm>>
    %dma_wait3A_75 = tpu.memref_slice %arg3[%mul3A_71] : memref<344064xi32, #tpu.memory_space<hbm>> -> memref<10752xi32, #tpu.memory_space<hbm>>
    tpu.wait_dma2 semaphore(%arg11 : memref<!tpu.dma_semaphore, #tpu.memory_space<semaphore_mem>>) src(%arg7 : memref<10752xi32, #tpu.memory_space<vmem>>) dst(%dma_wait3A_75 : memref<10752xi32, #tpu.memory_space<hbm>>)
    %mul3A_76 = arith.constant 40 : i32
    %mul3A_77 = arith.muli %add3A, %mul3A_76 : i32
    %dma_start3A_78 = arith.constant 0 : i32
    %dma_start3A_79 = tpu.memref_slice %arg10[%dma_start3A_78] : memref<48xi32, #tpu.memory_space<vmem>> -> memref<40xi32, #tpu.memory_space<vmem>>
    %dma_start3A_80 = tpu.memref_slice %arg4[%mul3A_77] : memref<1280xi32, #tpu.memory_space<hbm>> -> memref<40xi32, #tpu.memory_space<hbm>>
    %dma_start3A_81 = tpu.memref_slice %arg4[%mul3A_77] : memref<1280xi32, #tpu.memory_space<hbm>> -> memref<40xi32, #tpu.memory_space<hbm>>
    %dma_start3A_82 = arith.constant 0 : i32
    %dma_start3A_83 = tpu.memref_slice %arg10[%dma_start3A_82] : memref<48xi32, #tpu.memory_space<vmem>> -> memref<40xi32, #tpu.memory_space<vmem>>
    tpu.enqueue_dma source(%dma_start3A_83 : memref<40xi32, #tpu.memory_space<vmem>>) target(%dma_start3A_81 : memref<40xi32, #tpu.memory_space<hbm>>) target_semaphore(%arg11 : memref<!tpu.dma_semaphore, #tpu.memory_space<semaphore_mem>>)
    %dma_wait3A_84 = arith.constant 0 : i32
    %dma_wait3A_85 = tpu.memref_slice %arg10[%dma_wait3A_84] : memref<48xi32, #tpu.memory_space<vmem>> -> memref<40xi32, #tpu.memory_space<vmem>>
    %dma_wait3A_86 = tpu.memref_slice %arg4[%mul3A_77] : memref<1280xi32, #tpu.memory_space<hbm>> -> memref<40xi32, #tpu.memory_space<hbm>>
    %dma_wait3A_87 = tpu.memref_slice %arg4[%mul3A_77] : memref<1280xi32, #tpu.memory_space<hbm>> -> memref<40xi32, #tpu.memory_space<hbm>>
    %dma_wait3A_88 = arith.constant 0 : i32
    %dma_wait3A_89 = tpu.memref_slice %arg10[%dma_wait3A_88] : memref<48xi32, #tpu.memory_space<vmem>> -> memref<40xi32, #tpu.memory_space<vmem>>
    tpu.wait_dma2 semaphore(%arg11 : memref<!tpu.dma_semaphore, #tpu.memory_space<semaphore_mem>>) src(%dma_wait3A_89 : memref<40xi32, #tpu.memory_space<vmem>>) dst(%dma_wait3A_87 : memref<40xi32, #tpu.memory_space<hbm>>)
    return
  }
}

</mosaic_0001>

<sc_bundles>
// kernel: _route.3.cloned.1.call-start
scs
__scs_entry_jumppad:
0x0: {  	(pc) =	sbr.rel $0x88, $3  }
0x1: {  	(tag) =	ssettag $0x0;
	lr =	simm.s32 $0x1  }
0x2: {  	[smem:$0x3FA0] =	sst lr;
	_ =	strace $0xD0000000  }
0x3: {  	_ = 	snop  }
0x4: {  	_ = 	snop  }
0x5: {  	_ = 	snop  }
0x6: {  	_ = 	snop  }
0x7: {  	_ = 	snop  }
__scs_overlays_trampoline_lowered:
0x8: {  	[smem:$0x3FAF] =	sst s0  }
0x9: {  	[smem:$0x3FB0] =	sst s1  }
0xa: {  	[smem:$0x3FB1] =	sst s2  }
0xb: {  	[smem:$0x3FB2] =	sst s3  }
0xc: {  	[smem:$0x3FB3] =	sst s4  }
0xd: {  	[smem:$0x3FB4] =	sst s5  }
0xe: {  	[smem:$0x3FB5] =	sst s6  }
0xf: {  	[smem:$0x3FB6] =	sst s7  }
0x10: {  	[smem:$0x3FB7] =	sst s8  }
0x11: {  	[smem:$0x3FB8] =	sst s9;
	s0 =	simm.s32 @!p0 $0x0  }
0x12: {  	s1 =	sld [smem:$0x3F9E];
	s0 =	simm.s32 @p0 $0x1  }
0x13: {  	[smem:$0x3FB9] =	sst s0;
	s0 =	simm.s32 @!p1 $0x0  }
0x14: {  	s2 =	sld [smem:$0x3F9D];
	s0 =	simm.s32 @p1 $0x1  }
0x15: {  	[smem:$0x3FBA] =	sst s0;
	s0 =	simm.s32 @!p2 $0x0  }
0x16: {  	s3 =	sld [smem:$0x3FDB];
	s0 =	simm.s32 @p2 $0x1  }
0x17: {  	s4 =	simm.s32 $0x1BF5;
	[smem:$0x3FBC] =	sst s0  }
0x18: {  	s0 =	sld [smem:$0x3F9F];
	_ =	swait.ge [sflag:s4], $0x0  }
0x19: {  	s7 =	sld [smem:$0x3FA0]  }
0x1a: {  	s8 =	sadd.s32 $0xFFFFE003, lr  }
0x1b: {  	s9 =	sadd.s32 $0xFFFFFEF7, lr;
	s5 =	simm.s32 $0xFFFFFFFF;
	p2 =	slt.u32 s8, $0xFFFFF086  }
0x1c: {  	p1 =	slt.u32 s9, $0xF7A;
	s5 =	simm.s32 @!p2 $0x0  }
0x1d: {  	s5 =	simm.s32 @p1 $0x1;
	p0 =	seq.s32 s7, s2  }
0x1e: {  	s7 =	smul.u32 @!p0 $0xF7A, s2;
	p2 =	seq.s32 @!p0 s5, $0x0  }
0x1f: {  	s9 =	smul.u32 $0xF7A, s1;
	s8 =	simm.s32 @!p0 $0x1BF5;
	p2 =	por !p2, p0  }
0x20: {  	[sflag:s8] =	ssyncset.s32 @!p0 $0xFFFFF086;
	s6 =	sadd.s32 @!p0 s3, s7;
	s7 =	simm.s32 @!p0 $0x108  }
0x21: {  	s3 =	sadd.s32 s3, s9;
	s6 =	sadd.s32 @!p0 $0x88, s6;
	s7 =	simm.s32 @p2 $0x1082  }
0x22: {  	[simem:s7], [sflag:s8] =	dma.local @!p0 [hbm:s6], $0xF7A  }
0x23: {  	s9 =	sor.u32 $0xD0000000, s2;
	s6 =	simm.s32 $0x108;
	_ =	swait.ge @!p0 [sflag:s8], $0x0  }
0x24: {  	s3 =	sadd.s32 $0x88, s3;
	s6 =	simm.s32 @!p1 $0x1082;
	[sflag:s4] =	ssyncset.s32 $0xFFFFF086  }
0x25: {  	[simem:s6], [sflag:s4] =	dma.local [hbm:s3], $0xF7A  }
0x26: {  	[smem:$0x3FA0] =	sst s1;
	(tag) =	ssettag s2;
	_ =	strace s9  }
0x27: {  	s1 =	sld [smem:$0x3FB0]  }
0x28: {  	s2 =	sld [smem:$0x3FB1]  }
0x29: {  	s4 =	sld [smem:$0x3FB3]  }
0x2a: {  	p0 =	seq.s32 s5, $0x0;
	s5 =	sld [smem:$0x3FB4]  }
0x2b: {  	s6 =	sld [smem:$0x3FB5]  }
0x2c: {  	s7 =	sld [smem:$0x3FB6]  }
0x2d: {  	s3 =	simm.s32 $0x108;
	s8 =	sld [smem:$0x3FB7]  }
0x2e: {  	s3 =	simm.s32 @!p0 $0x1082;
	s9 =	sld [smem:$0x3FB8]  }
0x2f: {  	lr =	sadd.s32 s0, s3;
	s0 =	sld [smem:$0x3FAF]  }
0x30: {  	s3 =	sld [smem:$0x3FB2]  }
0x31: {  	[smem:$0x3FBB] =	sst s10  }
0x32: {  	s10 =	sld [smem:$0x3FB9];
	_ =	sdelay $0x3  }
0x33: {  	p0 =	seq.s32 s10, $0x1;
	s10 =	sld [smem:$0x3FBB];
	_ =	sdelay $0x3  }
0x34: {  	[smem:$0x3FBB] =	sst s10  }
0x35: {  	s10 =	sld [smem:$0x3FBA];
	_ =	sdelay $0x3  }
0x36: {  	p1 =	seq.s32 s10, $0x1;
	s10 =	sld [smem:$0x3FBB];
	_ =	sdelay $0x3  }
0x37: {  	[smem:$0x3FBB] =	sst s10  }
0x38: {  	s10 =	sld [smem:$0x3FBC]  }
0x39: {  	_ = 	snop;
	(pc) =	sbr.ind lr, $3  }
0x3a: {  	_ = 	snop  }
0x3b: {  	_ = 	snop  }
0x3c: {  	p2 =	seq.s32 s10, $0x1;
	s10 =	sld [smem:$0x3FBB]  }
0x3d: {  	_ =	shalt  }
0x3e: {  	_ =	shalt  }
0x3f: {  	_ =	shalt  }
0x40: {  	_ =	shalt  }
0x41: {  	_ =	shalt  }
0x42: {  	_ =	shalt  }
0x43: {  	_ =	shalt  }
0x44: {  	_ =	shalt  }
0x45: {  	_ =	shalt  }
0x46: {  	_ =	shalt  }
0x47: {  	_ =	shalt  }
0x48: {  	_ =	shalt  }
0x49: {  	_ =	shalt  }
0x4a: {  	_ =	shalt  }
0x4b: {  	_ =	shalt  }
0x4c: {  	_ =	shalt  }
0x4d: {  	_ =	shalt  }
0x4e: {  	_ =	shalt  }
0x4f: {  	_ =	shalt  }
0x50: {  	_ =	shalt  }
0x51: {  	_ =	shalt  }
0x52: {  	_ =	shalt  }
0x53: {  	_ =	shalt  }
0x54: {  	_ =	shalt  }
0x55: {  	_ =	shalt  }
0x56: {  	_ =	shalt  }
0x57: {  	_ =	shalt  }
0x58: {  	_ =	shalt  }
0x59: {  	_ =	shalt  }
0x5a: {  	_ =	shalt  }
0x5b: {  	_ =	shalt  }
0x5c: {  	_ =	shalt  }
0x5d: {  	_ =	shalt  }
0x5e: {  	_ =	shalt  }
0x5f: {  	_ =	shalt  }
0x60: {  	_ =	shalt  }
0x61: {  	_ =	shalt  }
0x62: {  	_ =	shalt  }
0x63: {  	_ =	shalt  }
0x64: {  	_ =	shalt  }
0x65: {  	_ =	shalt  }
0x66: {  	_ =	shalt  }
0x67: {  	_ =	shalt  }
0x68: {  	_ =	shalt  }
0x69: {  	_ =	shalt  }
0x6a: {  	_ =	shalt  }
0x6b: {  	_ =	shalt  }
0x6c: {  	_ =	shalt  }
0x6d: {  	_ =	shalt  }
0x6e: {  	_ =	shalt  }
0x6f: {  	_ =	shalt  }
0x70: {  	_ =	shalt  }
0x71: {  	_ =	shalt  }
0x72: {  	_ =	shalt  }
0x73: {  	_ =	shalt  }
0x74: {  	_ =	shalt  }
0x75: {  	_ =	shalt  }
0x76: {  	_ =	shalt  }
0x77: {  	_ =	shalt  }
0x78: {  	_ =	shalt  }
0x79: {  	_ =	shalt  }
0x7a: {  	_ =	shalt  }
0x7b: {  	_ =	shalt  }
0x7c: {  	_ =	shalt  }
0x7d: {  	_ =	shalt  }
0x7e: {  	_ =	shalt  }
0x7f: {  	_ =	shalt  }
0x80: {  	_ =	shalt  }
0x81: {  	_ =	shalt  }
0x82: {  	_ =	shalt  }
0x83: {  	_ =	shalt  }
0x84: {  	_ =	shalt  }
0x85: {  	_ =	shalt  }
0x86: {  	_ =	shalt  }
0x87: {  	_ =	shalt  }
.Lfunc_end0:
.L_simem_size_0:
called_computation_lowered:
.L_overlay_start_0:
0x88: {  	s2 =	sld [smem:$0x3FD9]  }
0x89: {  	s3 =	sld [smem:$0x3FFE];
	_ =	sdelay $0x1  }
0x8a: {  	s1 =	srdreg.scid  }
0x8b: {  	s0 =	sand.u32 $0x1, s1  }
0x8c: {  	s14 =	sshll.u32 s0, $0xA;
	s2 =	sadd.s32 s3, s2  }
0x8d: {  	s2 =	sadd.s32 s2, s14  }
0x8e: {  	[smem:$0x3FC7] =	sst s2  }
0x8f: {  	_ = 	snop  }
0x90: {  	s2 =	sld [smem:$0x3FD0];
	_ =	sdelay $0x2  }
0x91: {  	s15 =	simm.s32 $0xA;
	s4 =	simm.s32 $0x10  }
0x92: {  	[smem:s4], [sflag:s15] =	dma.local [hbm:s2], $0x1  }
0x93: {  	_ =	swait.eq [sflag:s15], $0x1  }
0x94: {  	[sflag:s15] =	ssyncset.done $0x0  }
0x95: {  	s16 =	sld [smem:$0x10];
	[sflag:s15] =	ssyncadd.s32 $0xFFFFFFFF  }
0x96: {  	s17 =	sld [smem:$0x11];
	(tm) =	ssettm $0x1  }
0x97: {  	s18 =	sld [smem:$0x3FFB];
	_ =	sdelay $0x3  }
0x98: {  	_ =	strace s18  }
0x99: {  	s4 =	sld [smem:$0x3FFC];
	_ =	sdelay $0x3  }
0x9a: {  	_ =	strace s4  }
0x9b: {  	s4 =	sld [smem:$0x3FFD];
	_ =	sdelay $0x3  }
0x9c: {  	_ =	strace s4  }
0x9d: {  	_ =	strace $0x8FFFFFFF  }
0x9e: {  	s19 =	sld [smem:$0x3FDB];
	_ =	sdelay $0x1  }
0x9f: {  	s5 =	simm.s32 $_scs_section_size  }
0xa0: {  	s6 =	simm.s32 $_size__tile_overlayer_lowered;
	s7 =	simm.s32 $_tile_overlayer_lowered  }
0xa1: {  	s22 =	simm.s32 $0x1BFF;
	s21 =	sshll.u32 s7, $0x1;
	s4 =	sadd.s32 s5, s19  }
0xa2: {  	s8 =	simm.s32 $0x0;
	s20 =	sshll.u32 s6, $0x1;
	s6 =	sadd.s32 s21, s4  }
0xa3: {  	[timem:s8], [sflag:s22] =	dma.local [hbm:s6], s20  }
0xa4: {  	_ =	swait.ge [sflag:s22], s20  }
0xa5: {  	s5 =	ssub.s32 $0x0, s20;
	[sflag:s22] =	ssyncset.done $0x0  }
0xa6: {  	[sflag:s22] =	ssyncadd.s32 s5;
	_ =	sdelay $0x1  }
0xa7: {  	s23 =	simm.s32 $0x1B8B  }
0xa8: {  	_ =	swait.ge [sflag:s23], $0x1  }
0xa9: {  	[sflag:s23] =	ssyncset.done $0x0  }
0xaa: {  	s25 =	simm.s32 $0x1B8E;
	s24 =	sld [smem:$0x3FFE];
	[sflag:s23] =	ssyncadd.s32 $0xFFFFFFFF  }
0xab: {  	s26 =	simm.s32 $execute0_lowered;
	[smem:$0x3FD2] =	sst s25  }
0xac: {  	s6 =	sshll.u32 s26, $0x1;
	_ =	strace $0x80000046;
	[dreg:$0x1] =	wrdreg $0xFFFFFFFF  }
0xad: {  	s28 =	simm.s32 $_size_execute0_lowered;
	s4 =	sadd.s32 s4, s6;
	[dreg:$0x0] =	wrdreg $0x0  }
0xae: {  	s6 =	sshll.u32 s28, $0x1;
	[dreg:$0x2] =	wrdreg s4  }
0xaf: {  	[dreg:$0x3] =	wrdreg s6  }
0xb0: {  	[dreg:$0x4] =	wrdreg $0xC0  }
0xb1: {  	_ =	task [dreg:s8], $0x5FFFF  }
0xb2: {  	[dreg:$0x1] =	wrdreg $0xFFFFFFFF  }
0xb3: {  	[dreg:$0x0] =	wrdreg $0x60  }
0xb4: {  	[dreg:$0x2] =	wrdreg s24  }
0xb5: {  	[dreg:$0x3] =	wrdreg s16  }
0xb6: {  	[dreg:$0x4] =	wrdreg s17  }
0xb7: {  	[dreg:$0x5] =	wrdreg $0x9  }
0xb8: {  	_ =	task.clear_ibuf [dreg:s8], $0x6FFFF;
	_ =	strace $0x90000046  }
0xb9: {  	s29 =	simm.s32 $0x9;
	_ =	strace $0x80000048  }
0xba: {  	_ =	swait.ge [sflag:s29], $0x1  }
0xbb: {  	[sflag:s29] =	ssyncadd.s32 $0xFFFFFFFF  }
0xbc: {  	_ =	strace $0x90000048  }
0xbd: {  	_ =	sfence  }
0xbe: {  	s30 =	sld [smem:$0x0];
	_ =	sdelay $0x2  }
0xbf: {  	s31 =	sshll.u32 s1, $0xD;
	s1 =	sshrl.u32 s1, $0x2  }
0xc0: {  	s3 =	sand.u32 $0x4000, s31;
	s1 =	sadd.s32 s1, s30  }
0xc1: {  	s0 =	sor.u32 s3, s0;
	s1 =	sshll.u32 s1, $0x11  }
0xc2: {  	s0 =	sor.u32 s1, s0  }
0xc3: {  	s0 =	sadd.s32 $0x8F2B, s0  }
0xc4: {  	[sflag:s0] =	ssyncadd.remote.s32 $0x1  }
0xc5: {  	_ =	sfence.sel $0xFFFF  }
0xc6: {  	[dreg:$0x0] =	wrdreg $0xFFFFFFFF;
	(pc) =	sbr.abs _section_cstart, $3  }
0xc7: {  	[dreg:$0x1] =	wrdreg $0xFFFFFFFF  }
0xc8: {  	_ =	task.clear_ibuf [dreg:s8], $0x2FFFF;
	_ =	strace $0x9FFFFFFF  }
0xc9: {  	(tm) =	ssettm $0x7FFFFFFF  }
tec
execute0_lowered:
.L_overlay_start_1:
0x0: {  	(tag) =	ssettag $0x1  }
0x1: {  	s3 =	rddreg [dreg:$0x0]  }
0x2: {  	s5 =	rddreg [dreg:$0x1];
	s1 =	srdreg.scid  }
0x3: {  	s0 =	stileid.u32;
	s6 =	rddreg [dreg:$0x2]  }
0x4: {  	s2 =	simm.s32 $0x0;
	s4 =	sand.u32 $0x1, s1;
	s7 =	sshll.u32 s0, $0x1  }
0x5: {  	s11 =	simm.s32 $0x7980;
	s12 =	simm.s32 $0x4F00;
	s7 =	sor.u32 s4, s7  }
0x6: {  	s13 =	simm.s32 $0x7A00;
	s14 =	simm.s32 $0x0;
	s8 =	smul.u32 $0x2710, s7  }
0x7: {  	s1 =	rddreg [dreg:$0x3];
	s4 =	ssub.s32 $0x2, s4;
	s10 =	smul.u32 $0x540, s7  }
0x8: {  	[smem:$0x7FF] =	sst s2;
	s9 =	sshrl.u32 s4, $0x1;
	s7 =	smul.u32 $0x5, s7  }
0x9: {  	_ =	strace $0x80000047;
	s9 =	ssub.s32 s4, s9;
	s8 =	sshrl.u32 s8, $0x3  }
0xa: {  	s5 =	sadd.s32 s5, s10;
	s6 =	sadd.s32 s6, s7;
	s7 =	smax.u32 s9, $0x1  }
0xb: {  	s9 =	simm.s32 $0x2780;
	s10 =	simm.s32 $0x7900;
	s8 =	sadd.s32 s8, s3  }
0xc: {  	v0 =	vimm.s32 $0x0;
	v1 =	vimm.s32 $0x3FFF;
	s3 =	sadd.s32 $0x600, s8;
	s4 =	sadd.s32 $0xA240, s8;
	s8 =	simm.s32 $0x1  }
.LBB2_1:
0xd: {  	[tilespmem:s2], [sflag:$0x1] =	stream.linear.gather [hbm4b:s3+s2], $0x2710, $0x38;
	[tilespmem:$0x7A80] =	vst v63  }
0xe: {  	_ =	swait.ge [sflag:s8], $0x2710  }
0xf: {  	[sflag:s8] =	ssyncset.done $0x0  }
0x10: {  	[sflag:s8] =	ssyncadd.s32 $0xFFFFD8F0  }
0x11: {  	[tilespmem:s9], [sflag:$0x1] =	stream.linear.gather [hbm4b:s4+s2], $0x2710, $0x38;
	[tilespmem:$0x7A80] =	vst v63  }
0x12: {  	_ =	swait.ge [sflag:s8], $0x2710  }
0x13: {  	[sflag:s8] =	ssyncset.done $0x0  }
0x14: {  	[sflag:s8] =	ssyncadd.s32 $0xFFFFD8F0  }
0x15: {  	[tilespmem:$0x7900] =	vst v0  }
0x16: {  	s16 =	simm.s32 $0x0;
	s15 =	simm.s32 $0x40;
	[tilespmem:$0x7910] =	vst v0  }
.LBB2_2:
0x17: {  	p0 =	sne.s32 s15, $0x9C00;
	v2 =	vld [tilespmem:s16+$0x2780];
	_ =	sdelay $0x4  }
0x18: {  	v2 =	vmul.u32 $0x199A, v2;
	_ =	sdelay $0x1  }
0x19: {  	v2 =	vshrl.u32 v2, $0x15  }
0x1a: {  	(xrf1) =	vunique.msk.u32 $0xffff, v2;
	_ =	sdelay $0xd  }
0x1b: {  	_, v3, vm0 =	vpop (xrf1);
	_ =	sdelay $0x1  }
.Ltmp0:
0x1c: {  	(pc) =	sbr.rel @p0 .LBB2_2-.Ltmp0, $2  }
0x1d: {  	_ =	sdelay $0x2  }
0x1e: {  	s16 =	sshra.s32 s15, $0x2;
	s15 =	sadd.s32 $0x40, s15;
	[tilespmem:v2+s10+$0x0] =	vst.idx.add.s32.msk vm0, v3  }
0x1f: {  	v2 =	vld [tilespmem:s16+$0x2780];
	_ =	sdelay $0x4  }
0x20: {  	v2 =	vmul.u32 $0x199A, v2;
	_ =	sdelay $0x1  }
0x21: {  	v2 =	vshrl.u32 v2, $0x15  }
0x22: {  	(xrf1) =	vunique.msk.u32 $0xffff, v2;
	_ =	sdelay $0xd  }
0x23: {  	_, v3, vm0 =	vpop (xrf1);
	_ =	sdelay $0x5  }
0x24: {  	[tilespmem:v2+s10+$0x0] =	vst.idx.add.s32.msk vm0, v3  }
0x25: {  	v2 =	vld [tilespmem:$0x7900]  }
0x26: {  	v3 =	vld [tilespmem:$0x7910];
	_ =	sdelay $0x3  }
0x27: {  	v2 =	vadd.s32 $0x7, v2  }
0x28: {  	v3 =	vadd.s32 $0x7, v3;
	v2 =	vand.u32 $0xFFFFFFF8, v2  }
0x29: {  	v3 =	vand.u32 $0xFFFFFFF8, v3;
	(xrf0) =	vadd.scan.msk.s32 $0xffff, v2  }
0x2a: {  	(xrf0) =	vadd.scan.msk.s32 $0xffff, v3;
	_ =	sdelay $0x4  }
0x2b: {  	v4, _, _ =	vpop (xrf0)  }
0x2c: {  	(v2sf) =	vpush v4, $0xF;
	v5, _, _ =	vpop (xrf0)  }
0x2d: {  	(v2sf) =	vpush v5, $0xF;
	_ =	sdelay $0xb  }
0x2e: {  	v6 =	vbroadcast v4, $0xF  }
0x2f: {  	v2 =	vsub.s32 v4, v2  }
0x30: {  	[tilespmem:$0x7A00] =	vst v2;
	v3 =	vsub.s32 v6, v3;
	s15 =	spop (v2sf)  }
0x31: {  	[tilespmem:$0x7980] =	vst v2;
	v3 =	vadd.s32 v5, v3;
	s31 =	spop (v2sf)  }
0x32: {  	[tilespmem:$0x7A10] =	vst v3;
	s15 =	sadd.s32 s15, s31  }
0x33: {  	[tilespmem:$0x7990] =	vst v3;
	v63 =	vmov s15  }
0x34: {  	s16 =	simm.s32 $0x0;
	s15 =	simm.s32 $0x40;
	[tilespmem:$0x7A20] =	vst v63  }
.LBB2_4:
0x35: {  	p0 =	sne.s32 s15, $0xA7C0;
	[tilespmem:s16+$0x4F00] =	vst v1;
	s16 =	smov.u32 s15;
	s15 =	sadd.s32 $0x40, s15  }
.Ltmp1:
0x36: {  	(pc) =	sbr.rel @p0 .LBB2_4-.Ltmp1, $2  }
0x37: {  	_ =	sdelay $0x2  }
0x38: {  	s16 =	sshra.s32 s16, $0x2  }
0x39: {  	[tilespmem:s16+$0x4F00] =	vst v1;
	s16 =	simm.s32 $0x0  }
0x3a: {  	s15 =	simm.s32 $0x40;
	v2 =	vld [tilespmem:s16+$0x2780]  }
.LBB2_6:
0x3b: {  	p0 =	sne.s32 s15, $0x9C00;
	_ =	sdelay $0x3  }
0x3c: {  	v3 =	vmul.u32 $0x199A, v2;
	_ =	sdelay $0x1  }
0x3d: {  	v3 =	vshrl.u32 v3, $0x15  }
0x3e: {  	(xrf1) =	vunique.msk.u32 $0xffff, v3;
	_ =	sdelay $0x8  }
0x3f: {  	v4 =	vld.idx.msk [tilespmem:v3+s11+$0x0], $0xffff;
	_ =	sdelay $0x4  }
0x40: {  	v5 =	vld [tilespmem:s16+$0x0];
	_, v6, vm0 =	vpop (xrf1)  }
0x41: {  	v4 =	vadd.s32 v6, v4  }
0x42: {  	v4 =	vadd.s32 $0xFFFFFFFF, v4;
	_ =	sdelay $0x2  }
.Ltmp2:
0x43: {  	v5 =	vshll.u32 v5, $0xE;
	(pc) =	sbr.rel @p0 .LBB2_6-.Ltmp2, $4  }
0x44: {  	v2 =	vor.u32 v2, v5  }
0x45: {  	[tilespmem:v4+s12+$0x0] =	vst.idx.msk $0xffff, v2  }
0x46: {  	s16 =	sshra.s32 s15, $0x2;
	[tilespmem:v3+s11+$0x0] =	vst.idx.add.s32.msk vm0, v6  }
0x47: {  	s15 =	sadd.s32 $0x40, s15;
	v2 =	vld [tilespmem:s16+$0x2780]  }
0x48: {  	_ =	sdelay $0x3  }
0x49: {  	v3 =	vmul.u32 $0x199A, v2;
	_ =	sdelay $0x1  }
0x4a: {  	v3 =	vshrl.u32 v3, $0x15  }
0x4b: {  	(xrf1) =	vunique.msk.u32 $0xffff, v3;
	_ =	sdelay $0x9  }
0x4c: {  	v4 =	vld.idx.msk [tilespmem:v3+s11+$0x0], $0xffff;
	_ =	sdelay $0x3  }
0x4d: {  	v5 =	vld [tilespmem:s16+$0x0];
	_, v6, vm0 =	vpop (xrf1)  }
0x4e: {  	v4 =	vadd.s32 v6, v4  }
0x4f: {  	v4 =	vadd.s32 $0xFFFFFFFF, v4;
	_ =	sdelay $0x2  }
0x50: {  	v5 =	vshll.u32 v5, $0xE  }
0x51: {  	v2 =	vor.u32 v2, v5  }
0x52: {  	[tilespmem:v4+s12+$0x0] =	vst.idx.msk $0xffff, v2  }
0x53: {  	[tilespmem:v3+s11+$0x0] =	vst.idx.add.s32.msk vm0, v6  }
0x54: {  	[hbm4b:s5+s2] =	stream.linear.scatter [tilespmem:s12], [sflag:$0x1], $0x2A00, $0x38;
	[tilespmem:$0x7A80] =	vst v63  }
0x55: {  	s14 =	sadd.s32 $0x1, s14;
	_ =	swait.ge [sflag:s8], $0x2A00  }
0x56: {  	p0 =	sne.s32 s14, s7;
	[sflag:s8] =	ssyncset.done $0x0  }
.Ltmp3:
0x57: {  	[sflag:s8] =	ssyncadd.s32 $0xFFFFD600;
	(pc) =	sbr.rel @p0 .LBB2_1-.Ltmp3, $4  }
0x58: {  	[hbm4b:s6+s2] =	stream.linear.scatter [tilespmem:s13], [sflag:$0x1], $0x28, $0x38;
	[tilespmem:$0x7A80] =	vst v63  }
0x59: {  	_ =	swait.ge [sflag:s8], $0x28  }
0x5a: {  	[sflag:s8] =	ssyncset.done $0x0  }
0x5b: {  	[sflag:s8] =	ssyncadd.s32 $0xFFFFFFD8  }
0x5c: {  	_ =	sfence.sel $0x180000  }
0x5d: {  	[bflag:$0x0] =	sbarrier.arrive $0xFFFF  }
0x5e: {  	p0 =	sne.s32 s0, $0x0;
	_ =	strace $0x90000047  }
0x5f: {  	s0 =	sadd.s32 @!p0 $0x100000, s1;
	[bflag:$0x2] =	sbarrier.arrive $0xFFFF  }
0x60: {  	[sflag:s0] =	ssyncadd.tile.s32 @!p0 $0x1;
	_ =	shalt  }
.Lfunc_end2:
_tile_overlayer_lowered:
.L_overlay_start_2:
0x61: {  	(tag) =	ssettag $0x2  }
0x62: {  	s0 =	rddreg [dreg:$0x0];
	s2 =	stileid.u32  }
0x63: {  	s1 =	rddreg [dreg:$0x1];
	p0 =	sne.s32 s2, $0x0  }
0x64: {  	s3 =	rddreg [dreg:$0x2];
	[bflag:$0x3] =	sbarrier.arrive $0xFFFF;
	s2 =	simm.s32 @!p0 $0x1C02  }
0x65: {  	[timem:s3], [sflag:s2] =	dma.local @!p0 [hbm:s0], s1  }
0x66: {  	s0 =	simm.s32 @!p0 $0x2  }
0x67: {  	_ =	swait.ge @!p0 [sflag:s0], s1  }
0x68: {  	s1 =	ssub.s32 @!p0 $0x0, s1;
	[sflag:s0] =	ssyncset.done @!p0 $0x0  }
0x69: {  	[sflag:s0] =	ssyncadd.s32 @!p0 s1  }
0x6a: {  	[bflag:$0x3] =	sbarrier.arrive $0xFFFF  }
0x6b: {  	_ =	shalt  }

</sc_bundles>
